<compile_context>
chip_gen: v7x
topology: tpu7x:2x2x1
jax: 0.10.2.dev20260603
libtpu: 0.0.44.dev20260713+nightly
codegen_flags: <defaults>
</compile_context>

<pallas_src>
import functools

import jax
import jax.numpy as jnp
from jax import lax
from jax.experimental import pallas as pl
from jax.experimental.pallas import tpu as pltpu
from jax.experimental.pallas import tpu_sc as plsc

N = 10000
E = 320000
D = 128
OUT = 128

NC = 2
NS = 16
HD = D // NC
EPT = E // NS
B = 250
NCH = EPT // B
N_PAD = 10240
RPT = N_PAD // NS
CW = 8


def _sc_scatter_body(x2_hbm, esrc_hbm, etgt_hbm,
                     zacc_hbm, zcnt_hbm, ones_hbm,
                     sums_out, cnts_out,
                     src_idx, tgt_idx, rows0, rows1, ones_v, acc, cnt,
                     gsem0, gsem1):
    c = lax.axis_index("c")
    s = lax.axis_index("s")

    pltpu.sync_copy(zacc_hbm.at[pl.ds(s * RPT, RPT)], acc.at[pl.ds(s * RPT, RPT)])
    pltpu.sync_copy(zcnt_hbm.at[pl.ds(s * RPT, RPT)], cnt.at[pl.ds(s * RPT, RPT)])

    pltpu.sync_copy(esrc_hbm.at[c, s], src_idx)
    pltpu.sync_copy(etgt_hbm.at[s], tgt_idx)
    pltpu.sync_copy(ones_hbm, ones_v)

    plsc.subcore_barrier()

    def start_gather(i, rows, gsem):
        pltpu.async_copy(x2_hbm.at[src_idx.at[i]], rows, gsem)

    def finish_chunk(i, rows, gsem):
        pltpu.make_async_copy(x2_hbm.at[src_idx.at[i]], rows, gsem).wait()
        pltpu.sync_copy(rows, acc.at[tgt_idx.at[i]], add=True)

        @pl.when(lax.rem(i, 2) == c)
        def _():
            pltpu.sync_copy(ones_v, cnt.at[tgt_idx.at[i]], add=True)

    start_gather(0, rows0, gsem0)
    start_gather(1, rows1, gsem1)

    def chunk_pair(j, carry):
        i = 2 * j
        finish_chunk(i, rows0, gsem0)

        @pl.when(i + 2 < NCH)
        def _():
            start_gather(i + 2, rows0, gsem0)

        finish_chunk(i + 1, rows1, gsem1)

        @pl.when(i + 3 < NCH)
        def _():
            start_gather(i + 3, rows1, gsem1)

        return carry

    lax.fori_loop(0, NCH // 2, chunk_pair, 0)

    plsc.subcore_barrier()

    pltpu.sync_copy(acc.at[pl.ds(s * RPT, RPT)], sums_out.at[c, pl.ds(s * RPT, RPT)])
    pltpu.sync_copy(cnt.at[pl.ds(s * RPT, RPT)], cnts_out.at[c, pl.ds(s * RPT, RPT)])


_sc_scatter = functools.partial(
    pl.kernel,
    out_type=(
        jax.ShapeDtypeStruct((NC, N_PAD, HD), jnp.float32),
        jax.ShapeDtypeStruct((NC, N_PAD, CW), jnp.float32),
    ),
    mesh=plsc.VectorSubcoreMesh(
        core_axis_name="c", subcore_axis_name="s",
        num_cores=NC, num_subcores=NS),
    compiler_params=pltpu.CompilerParams(use_tc_tiling_on_sc=False),
    scratch_types=[
        pltpu.VMEM((NCH, B), jnp.int32),
        pltpu.VMEM((NCH, B), jnp.int32),
        pltpu.VMEM((B, HD), jnp.float32),
        pltpu.VMEM((B, HD), jnp.float32),
        pltpu.VMEM((B, CW), jnp.float32),
        pltpu.VMEM_SHARED((N_PAD, HD), jnp.float32),
        pltpu.VMEM_SHARED((N_PAD, CW), jnp.float32),
        pltpu.SemaphoreType.DMA,
        pltpu.SemaphoreType.DMA,
    ],
)(_sc_scatter_body)


def _combine_body(x_ref, s_ref, cp_ref, ws_ref, wt_ref, o_ref):
    cnt = cp_ref[0, :, 0:1] + cp_ref[1, :, 0:1]
    sums = jnp.concatenate([s_ref[0], s_ref[1]], axis=1)
    mean = sums / jnp.maximum(cnt, 1.0)
    o_ref[...] = (
        jnp.dot(x_ref[...], wt_ref[...], preferred_element_type=jnp.float32)
        + jnp.dot(mean, ws_ref[...], preferred_element_type=jnp.float32)
    )


BN = 2000


def _combine(x, sums, cnts_p, W_src, W_tgt):
    grid = (N // BN,)
    return pl.pallas_call(
        _combine_body,
        grid=grid,
        in_specs=[
            pl.BlockSpec((BN, D), lambda i: (i, 0)),
            pl.BlockSpec((2, BN, HD), lambda i: (0, i, 0)),
            pl.BlockSpec((2, BN, CW), lambda i: (0, i, 0)),
            pl.BlockSpec((D, OUT), lambda i: (0, 0)),
            pl.BlockSpec((D, OUT), lambda i: (0, 0)),
        ],
        out_specs=pl.BlockSpec((BN, OUT), lambda i: (i, 0)),
        out_shape=jax.ShapeDtypeStruct((N, OUT), jnp.float32),
    )(x, sums, cnts_p, W_src, W_tgt)


def kernel(x, edge_index, W_src, W_tgt):
    x2 = x.reshape(NC * N, HD)
    src = edge_index[0]
    esrc2 = jnp.stack([2 * src, 2 * src + 1]).reshape(NC, NS, NCH, B)
    etgt = edge_index[1].reshape(NS, NCH, B)
    zacc = jnp.zeros((N_PAD, HD), jnp.float32)
    zcnt = jnp.zeros((N_PAD, CW), jnp.float32)
    ones = jnp.ones((B, CW), jnp.float32)
    sums, cnts_p = _sc_scatter(x2, esrc2, etgt, zacc, zcnt, ones)
    return _combine(x, sums, cnts_p, W_src, W_tgt)

# --- scband reference (transcript-rebuilt; emitter-appended) ---
"""Pipeline reference for scband-sagehetero-conv-40261023432832 (READ-ONLY COPY).

The authoritative reference and input builder live on the scoring server;
editing this copy changes nothing except your own understanding.
"""

import jax, jax.numpy as jnp
import numpy as np

N = 10000
E = 320000
D = 128
OUT = 128


def setup_inputs(seed: int = 0) -> dict:
    key = jax.random.key(seed)
    k1, k2, k3, k4 = jax.random.split(key, 4)
    x = jax.random.normal(k1, (N, D), dtype=jnp.float32)
    edge_index = jax.random.randint(k2, (2, E), 0, N, dtype=jnp.int32)
    # glorot-initialized linear weights (no bias), one source and one target
    # projection for the single edge type ('a' -> 'a')
    lim = float(np.sqrt(6.0 / (D + OUT)))
    W_src = jax.random.uniform(k3, (D, OUT), dtype=jnp.float32, minval=-lim, maxval=lim)
    W_tgt = jax.random.uniform(k4, (D, OUT), dtype=jnp.float32, minval=-lim, maxval=lim)
    return {"x": x, "edge_index": edge_index, "W_src": W_src, "W_tgt": W_tgt}


def reference(x, edge_index, W_src, W_tgt):
    # Single edge type: x_dict = {'a': x}, edge_index_dict = {'a': edge_index}
    src = edge_index[0].reshape(-1)
    tgt = edge_index[1].reshape(-1)
    source_x = x @ W_src          # Linear(..., bias=False) for source node type
    target_x = x @ W_tgt          # Linear(..., bias=False) for target node type
    gathered = source_x[src]      # gather source features per edge
    # scatter(..., reduce='mean') into zeros_like(target_x):
    sums = jax.ops.segment_sum(gathered, tgt, num_segments=N)
    counts = jax.ops.segment_sum(jnp.ones((E,), dtype=jnp.float32), tgt, num_segments=N)
    mean = sums / jnp.maximum(counts, 1.0)[:, None]
    out = target_x + mean
    # x_dict_out has a single target node type 'a'
    return out

if __name__ == "__main__":
    import jax
    _d = setup_inputs()
    print(jax.jit(kernel)(*tuple(_d.values())))

</pallas_src>

<mosaic_0001>
#map = affine_map<(d0, d1) -> (0, 0)>
#map1 = affine_map<(d0, d1) -> (0, 0, 0, 0)>
#map2 = affine_map<(d0, d1) -> (0, 0, 0)>
module attributes {stable_mosaic.version = 14 : i64} {
  func.func @_sc_scatter_body(%arg0: i32, %arg1: i32, %arg2: memref<20000x64xf32, #tpu.memory_space<hbm>>, %arg3: memref<2x16x80x250xi32, #tpu.memory_space<hbm>>, %arg4: memref<16x80x250xi32, #tpu.memory_space<hbm>>, %arg5: memref<10240x64xf32, #tpu.memory_space<hbm>>, %arg6: memref<10240x8xf32, #tpu.memory_space<hbm>>, %arg7: memref<250x8xf32, #tpu.memory_space<hbm>>, %arg8: memref<2x10240x64xf32, #tpu.memory_space<hbm>>, %arg9: memref<2x10240x8xf32, #tpu.memory_space<hbm>>, %arg10: memref<80x250xi32, #tpu.memory_space<vmem>>, %arg11: memref<80x250xi32, #tpu.memory_space<vmem>>, %arg12: memref<250x64xf32, #tpu.memory_space<vmem>>, %arg13: memref<250x64xf32, #tpu.memory_space<vmem>>, %arg14: memref<250x8xf32, #tpu.memory_space<vmem>>, %arg15: memref<10240x64xf32, #tpu.memory_space<vmem_shared>>, %arg16: memref<10240x8xf32, #tpu.memory_space<vmem_shared>>, %arg17: memref<!tpu.dma_semaphore, #tpu.memory_space<semaphore_mem>>, %arg18: memref<!tpu.dma_semaphore, #tpu.memory_space<semaphore_mem>>) attributes {dimension_semantics = [#tpu.dimension_semantics<core_parallel>, #tpu.dimension_semantics<subcore_parallel>], iteration_bounds = array<i64: 2, 16>, scalar_prefetch = 0 : i64, scratch_operands = 9 : i64, tpu.core_type = #tpu.core_type<sc_vector_subcore>, window_params = [{transform_indices = #map}, {transform_indices = #map1}, {transform_indices = #map2}, {transform_indices = #map}, {transform_indices = #map}, {transform_indices = #map}, {transform_indices = #map2}, {transform_indices = #map2}]} {
    %mul3A = arith.constant 640 : i32
    %mul3A_0 = arith.muli %arg1, %mul3A : i32
    %mul3A_1 = arith.constant 640 : i32
    %mul3A_2 = arith.muli %arg1, %mul3A_1 : i32
    "tpu.region"() ({
      %run_scoped3A = tpu.sem_alloc : memref<!tpu.dma_semaphore, #tpu.memory_space<semaphore_mem>>
      %dma_start3A_34 = arith.constant 0 : i32
      %dma_start3A_35 = tpu.memref_slice %arg15[%mul3A_2, %dma_start3A_34] : memref<10240x64xf32, #tpu.memory_space<vmem_shared>> -> memref<640x64xf32, #tpu.memory_space<vmem_shared>>
      %dma_start3A_36 = arith.constant 0 : i32
      %dma_start3A_37 = tpu.memref_slice %arg5[%mul3A_0, %dma_start3A_36] : memref<10240x64xf32, #tpu.memory_space<hbm>> -> memref<640x64xf32, #tpu.memory_space<hbm>>
      tpu.enqueue_dma source(%dma_start3A_37 : memref<640x64xf32, #tpu.memory_space<hbm>>) target(%dma_start3A_35 : memref<640x64xf32, #tpu.memory_space<vmem_shared>>) target_semaphore(%run_scoped3A : memref<!tpu.dma_semaphore, #tpu.memory_space<semaphore_mem>>)
      %dma_wait3A = arith.constant 0 : i32
      %dma_wait3A_38 = tpu.memref_slice %arg15[%mul3A_2, %dma_wait3A] : memref<10240x64xf32, #tpu.memory_space<vmem_shared>> -> memref<640x64xf32, #tpu.memory_space<vmem_shared>>
      %dma_wait3A_39 = arith.constant 0 : i32
      %dma_wait3A_40 = tpu.memref_slice %arg5[%mul3A_0, %dma_wait3A_39] : memref<10240x64xf32, #tpu.memory_space<hbm>> -> memref<640x64xf32, #tpu.memory_space<hbm>>
      tpu.wait_dma2 semaphore(%run_scoped3A : memref<!tpu.dma_semaphore, #tpu.memory_space<semaphore_mem>>) src(%dma_wait3A_40 : memref<640x64xf32, #tpu.memory_space<hbm>>) dst(%dma_wait3A_38 : memref<640x64xf32, #tpu.memory_space<vmem_shared>>)
      tpu.yield
    }) : () -> ()
    %mul3A_3 = arith.constant 640 : i32
    %mul3A_4 = arith.muli %arg1, %mul3A_3 : i32
    %mul3A_5 = arith.constant 640 : i32
    %mul3A_6 = arith.muli %arg1, %mul3A_5 : i32
    "tpu.region"() ({
      %run_scoped3A = tpu.sem_alloc : memref<!tpu.dma_semaphore, #tpu.memory_space<semaphore_mem>>
      %dma_start3A_34 = arith.constant 0 : i32
      %dma_start3A_35 = tpu.memref_slice %arg16[%mul3A_6, %dma_start3A_34] : memref<10240x8xf32, #tpu.memory_space<vmem_shared>> -> memref<640x8xf32, #tpu.memory_space<vmem_shared>>
      %dma_start3A_36 = arith.constant 0 : i32
      %dma_start3A_37 = tpu.memref_slice %arg6[%mul3A_4, %dma_start3A_36] : memref<10240x8xf32, #tpu.memory_space<hbm>> -> memref<640x8xf32, #tpu.memory_space<hbm>>
      tpu.enqueue_dma source(%dma_start3A_37 : memref<640x8xf32, #tpu.memory_space<hbm>>) target(%dma_start3A_35 : memref<640x8xf32, #tpu.memory_space<vmem_shared>>) target_semaphore(%run_scoped3A : memref<!tpu.dma_semaphore, #tpu.memory_space<semaphore_mem>>)
      %dma_wait3A = arith.constant 0 : i32
      %dma_wait3A_38 = tpu.memref_slice %arg16[%mul3A_6, %dma_wait3A] : memref<10240x8xf32, #tpu.memory_space<vmem_shared>> -> memref<640x8xf32, #tpu.memory_space<vmem_shared>>
      %dma_wait3A_39 = arith.constant 0 : i32
      %dma_wait3A_40 = tpu.memref_slice %arg6[%mul3A_4, %dma_wait3A_39] : memref<10240x8xf32, #tpu.memory_space<hbm>> -> memref<640x8xf32, #tpu.memory_space<hbm>>
      tpu.wait_dma2 semaphore(%run_scoped3A : memref<!tpu.dma_semaphore, #tpu.memory_space<semaphore_mem>>) src(%dma_wait3A_40 : memref<640x8xf32, #tpu.memory_space<hbm>>) dst(%dma_wait3A_38 : memref<640x8xf32, #tpu.memory_space<vmem_shared>>)
      tpu.yield
    }) : () -> ()
    "tpu.region"() ({
      %run_scoped3A = tpu.sem_alloc : memref<!tpu.dma_semaphore, #tpu.memory_space<semaphore_mem>>
      %dma_start3A_34 = arith.constant 0 : i32
      %dma_start3A_35 = arith.constant 0 : i32
      %dma_start3A_36 = tpu.memref_slice %arg3[%arg0, %arg1, %dma_start3A_34, %dma_start3A_35] : memref<2x16x80x250xi32, #tpu.memory_space<hbm>> -> memref<1x1x80x250xi32, #tpu.memory_space<hbm>>
      %dma_start3A_37 = tpu.memref_squeeze %dma_start3A_36 : memref<1x1x80x250xi32, #tpu.memory_space<hbm>> -> memref<80x250xi32, #tpu.memory_space<hbm>>
      %dma_start3A_38 = arith.constant 0 : i32
      %dma_start3A_39 = arith.constant 0 : i32
      %dma_start3A_40 = tpu.memref_slice %arg3[%arg0, %arg1, %dma_start3A_38, %dma_start3A_39] : memref<2x16x80x250xi32, #tpu.memory_space<hbm>> -> memref<1x1x80x250xi32, #tpu.memory_space<hbm>>
      %dma_start3A_41 = tpu.memref_squeeze %dma_start3A_40 : memref<1x1x80x250xi32, #tpu.memory_space<hbm>> -> memref<80x250xi32, #tpu.memory_space<hbm>>
      tpu.enqueue_dma source(%dma_start3A_41 : memref<80x250xi32, #tpu.memory_space<hbm>>) target(%arg10 : memref<80x250xi32, #tpu.memory_space<vmem>>) target_semaphore(%run_scoped3A : memref<!tpu.dma_semaphore, #tpu.memory_space<semaphore_mem>>)
      %dma_wait3A = arith.constant 0 : i32
      %dma_wait3A_42 = arith.constant 0 : i32
      %dma_wait3A_43 = tpu.memref_slice %arg3[%arg0, %arg1, %dma_wait3A, %dma_wait3A_42] : memref<2x16x80x250xi32, #tpu.memory_space<hbm>> -> memref<1x1x80x250xi32, #tpu.memory_space<hbm>>
      %dma_wait3A_44 = tpu.memref_squeeze %dma_wait3A_43 : memref<1x1x80x250xi32, #tpu.memory_space<hbm>> -> memref<80x250xi32, #tpu.memory_space<hbm>>
      %dma_wait3A_45 = arith.constant 0 : i32
      %dma_wait3A_46 = arith.constant 0 : i32
      %dma_wait3A_47 = tpu.memref_slice %arg3[%arg0, %arg1, %dma_wait3A_45, %dma_wait3A_46] : memref<2x16x80x250xi32, #tpu.memory_space<hbm>> -> memref<1x1x80x250xi32, #tpu.memory_space<hbm>>
      %dma_wait3A_48 = tpu.memref_squeeze %dma_wait3A_47 : memref<1x1x80x250xi32, #tpu.memory_space<hbm>> -> memref<80x250xi32, #tpu.memory_space<hbm>>
      tpu.wait_dma2 semaphore(%run_scoped3A : memref<!tpu.dma_semaphore, #tpu.memory_space<semaphore_mem>>) src(%dma_wait3A_48 : memref<80x250xi32, #tpu.memory_space<hbm>>) dst(%arg10 : memref<80x250xi32, #tpu.memory_space<vmem>>)
      tpu.yield
    }) : () -> ()
    "tpu.region"() ({
      %run_scoped3A = tpu.sem_alloc : memref<!tpu.dma_semaphore, #tpu.memory_space<semaphore_mem>>
      %dma_start3A_34 = arith.constant 0 : i32
      %dma_start3A_35 = arith.constant 0 : i32
      %dma_start3A_36 = tpu.memref_slice %arg4[%arg1, %dma_start3A_34, %dma_start3A_35] : memref<16x80x250xi32, #tpu.memory_space<hbm>> -> memref<1x80x250xi32, #tpu.memory_space<hbm>>
      %dma_start3A_37 = tpu.memref_squeeze %dma_start3A_36 : memref<1x80x250xi32, #tpu.memory_space<hbm>> -> memref<80x250xi32, #tpu.memory_space<hbm>>
      %dma_start3A_38 = arith.constant 0 : i32
      %dma_start3A_39 = arith.constant 0 : i32
      %dma_start3A_40 = tpu.memref_slice %arg4[%arg1, %dma_start3A_38, %dma_start3A_39] : memref<16x80x250xi32, #tpu.memory_space<hbm>> -> memref<1x80x250xi32, #tpu.memory_space<hbm>>
      %dma_start3A_41 = tpu.memref_squeeze %dma_start3A_40 : memref<1x80x250xi32, #tpu.memory_space<hbm>> -> memref<80x250xi32, #tpu.memory_space<hbm>>
      tpu.enqueue_dma source(%dma_start3A_41 : memref<80x250xi32, #tpu.memory_space<hbm>>) target(%arg11 : memref<80x250xi32, #tpu.memory_space<vmem>>) target_semaphore(%run_scoped3A : memref<!tpu.dma_semaphore, #tpu.memory_space<semaphore_mem>>)
      %dma_wait3A = arith.constant 0 : i32
      %dma_wait3A_42 = arith.constant 0 : i32
      %dma_wait3A_43 = tpu.memref_slice %arg4[%arg1, %dma_wait3A, %dma_wait3A_42] : memref<16x80x250xi32, #tpu.memory_space<hbm>> -> memref<1x80x250xi32, #tpu.memory_space<hbm>>
      %dma_wait3A_44 = tpu.memref_squeeze %dma_wait3A_43 : memref<1x80x250xi32, #tpu.memory_space<hbm>> -> memref<80x250xi32, #tpu.memory_space<hbm>>
      %dma_wait3A_45 = arith.constant 0 : i32
      %dma_wait3A_46 = arith.constant 0 : i32
      %dma_wait3A_47 = tpu.memref_slice %arg4[%arg1, %dma_wait3A_45, %dma_wait3A_46] : memref<16x80x250xi32, #tpu.memory_space<hbm>> -> memref<1x80x250xi32, #tpu.memory_space<hbm>>
      %dma_wait3A_48 = tpu.memref_squeeze %dma_wait3A_47 : memref<1x80x250xi32, #tpu.memory_space<hbm>> -> memref<80x250xi32, #tpu.memory_space<hbm>>
      tpu.wait_dma2 semaphore(%run_scoped3A : memref<!tpu.dma_semaphore, #tpu.memory_space<semaphore_mem>>) src(%dma_wait3A_48 : memref<80x250xi32, #tpu.memory_space<hbm>>) dst(%arg11 : memref<80x250xi32, #tpu.memory_space<vmem>>)
      tpu.yield
    }) : () -> ()
    "tpu.region"() ({
      %run_scoped3A = tpu.sem_alloc : memref<!tpu.dma_semaphore, #tpu.memory_space<semaphore_mem>>
      tpu.enqueue_dma source(%arg7 : memref<250x8xf32, #tpu.memory_space<hbm>>) target(%arg14 : memref<250x8xf32, #tpu.memory_space<vmem>>) target_semaphore(%run_scoped3A : memref<!tpu.dma_semaphore, #tpu.memory_space<semaphore_mem>>)
      tpu.wait_dma2 semaphore(%run_scoped3A : memref<!tpu.dma_semaphore, #tpu.memory_space<semaphore_mem>>) src(%arg7 : memref<250x8xf32, #tpu.memory_space<hbm>>) dst(%arg14 : memref<250x8xf32, #tpu.memory_space<vmem>>)
      tpu.yield
    }) : () -> ()
    %barrier3A = arith.constant 0 : index
    tpu.barrier barrier_id(%barrier3A)
    %dma_start3A = arith.constant 0 : i32
    %dma_start3A_7 = arith.constant 0 : i32
    %dma_start3A_8 = tpu.memref_slice %arg10[%dma_start3A, %dma_start3A_7] : memref<80x250xi32, #tpu.memory_space<vmem>> -> memref<1x250xi32, #tpu.memory_space<vmem>>
    %dma_start3A_9 = tpu.memref_squeeze %dma_start3A_8 : memref<1x250xi32, #tpu.memory_space<vmem>> -> memref<250xi32, #tpu.memory_space<vmem>>
    %dma_start3A_10 = arith.constant 0 : i32
    %dma_start3A_11 = arith.constant 0 : i32
    %dma_start3A_12 = tpu.memref_slice %arg2[%dma_start3A_10, %dma_start3A_11] : memref<20000x64xf32, #tpu.memory_space<hbm>> -> memref<20000x64xf32, #tpu.memory_space<hbm>>
    tpu.enqueue_indirect_dma source(%dma_start3A_12 : memref<20000x64xf32, #tpu.memory_space<hbm>>) target(%arg12 : memref<250x64xf32, #tpu.memory_space<vmem>>) offsets(%dma_start3A_9 : memref<250xi32, #tpu.memory_space<vmem>>) semaphore(%arg17 : memref<!tpu.dma_semaphore, #tpu.memory_space<semaphore_mem>>)
    %dma_start3A_13 = arith.constant 1 : i32
    %dma_start3A_14 = arith.constant 0 : i32
    %dma_start3A_15 = tpu.memref_slice %arg10[%dma_start3A_13, %dma_start3A_14] : memref<80x250xi32, #tpu.memory_space<vmem>> -> memref<1x250xi32, #tpu.memory_space<vmem>>
    %dma_start3A_16 = tpu.memref_squeeze %dma_start3A_15 : memref<1x250xi32, #tpu.memory_space<vmem>> -> memref<250xi32, #tpu.memory_space<vmem>>
    %dma_start3A_17 = arith.constant 0 : i32
    %dma_start3A_18 = arith.constant 0 : i32
    %dma_start3A_19 = tpu.memref_slice %arg2[%dma_start3A_17, %dma_start3A_18] : memref<20000x64xf32, #tpu.memory_space<hbm>> -> memref<20000x64xf32, #tpu.memory_space<hbm>>
    tpu.enqueue_indirect_dma source(%dma_start3A_19 : memref<20000x64xf32, #tpu.memory_space<hbm>>) target(%arg13 : memref<250x64xf32, #tpu.memory_space<vmem>>) offsets(%dma_start3A_16 : memref<250xi32, #tpu.memory_space<vmem>>) semaphore(%arg18 : memref<!tpu.dma_semaphore, #tpu.memory_space<semaphore_mem>>)
    %scan3A = arith.constant 0 : i32
    %scan3A_20 = arith.constant 0 : i32
    %scan3A_21 = arith.constant 40 : i32
    %scan3A_22 = arith.addi %scan3A_20, %scan3A_21 : i32
    %scan3A_23 = arith.constant 1 : i32
    scf.for %scan3A_34 = %scan3A_20 to %scan3A_22 step %scan3A_23  : i32 {
      %mul3A_35 = arith.constant 2 : i32
      %mul3A_36 = arith.muli %mul3A_35, %scan3A_34 : i32
      %dma_wait3A = arith.constant 0 : i32
      %dma_wait3A_37 = tpu.memref_slice %arg10[%mul3A_36, %dma_wait3A] : memref<80x250xi32, #tpu.memory_space<vmem>> -> memref<1x250xi32, #tpu.memory_space<vmem>>
      %dma_wait3A_38 = tpu.memref_squeeze %dma_wait3A_37 : memref<1x250xi32, #tpu.memory_space<vmem>> -> memref<250xi32, #tpu.memory_space<vmem>>
      %dma_wait3A_39 = arith.constant 0 : i32
      %dma_wait3A_40 = arith.constant 0 : i32
      %dma_wait3A_41 = tpu.memref_slice %arg2[%dma_wait3A_39, %dma_wait3A_40] : memref<20000x64xf32, #tpu.memory_space<hbm>> -> memref<20000x64xf32, #tpu.memory_space<hbm>>
      tpu.wait_indirect_dma semaphore(%arg17 : memref<!tpu.dma_semaphore, #tpu.memory_space<semaphore_mem>>) src(%dma_wait3A_41 : memref<20000x64xf32, #tpu.memory_space<hbm>>) dst(%arg12 : memref<250x64xf32, #tpu.memory_space<vmem>>)
      "tpu.region"() ({
        %run_scoped3A = tpu.sem_alloc : memref<!tpu.dma_semaphore, #tpu.memory_space<semaphore_mem>>
        %dma_start3A_70 = arith.constant 0 : i32
        %dma_start3A_71 = tpu.memref_slice %arg11[%mul3A_36, %dma_start3A_70] : memref<80x250xi32, #tpu.memory_space<vmem>> -> memref<1x250xi32, #tpu.memory_space<vmem>>
        %dma_start3A_72 = tpu.memref_squeeze %dma_start3A_71 : memref<1x250xi32, #tpu.memory_space<vmem>> -> memref<250xi32, #tpu.memory_space<vmem>>
        %dma_start3A_73 = arith.constant 0 : i32
        %dma_start3A_74 = arith.constant 0 : i32
        %dma_start3A_75 = tpu.memref_slice %arg15[%dma_start3A_73, %dma_start3A_74] : memref<10240x64xf32, #tpu.memory_space<vmem_shared>> -> memref<10240x64xf32, #tpu.memory_space<vmem_shared>>
        tpu.enqueue_indirect_dma source(%arg12 : memref<250x64xf32, #tpu.memory_space<vmem>>) target(%dma_start3A_75 : memref<10240x64xf32, #tpu.memory_space<vmem_shared>>) offsets(%dma_start3A_72 : memref<250xi32, #tpu.memory_space<vmem>>) semaphore(%run_scoped3A : memref<!tpu.dma_semaphore, #tpu.memory_space<semaphore_mem>>) {add = true}
        %dma_wait3A_76 = arith.constant 0 : i32
        %dma_wait3A_77 = tpu.memref_slice %arg11[%mul3A_36, %dma_wait3A_76] : memref<80x250xi32, #tpu.memory_space<vmem>> -> memref<1x250xi32, #tpu.memory_space<vmem>>
        %dma_wait3A_78 = tpu.memref_squeeze %dma_wait3A_77 : memref<1x250xi32, #tpu.memory_space<vmem>> -> memref<250xi32, #tpu.memory_space<vmem>>
        %dma_wait3A_79 = arith.constant 0 : i32
        %dma_wait3A_80 = arith.constant 0 : i32
        %dma_wait3A_81 = tpu.memref_slice %arg15[%dma_wait3A_79, %dma_wait3A_80] : memref<10240x64xf32, #tpu.memory_space<vmem_shared>> -> memref<10240x64xf32, #tpu.memory_space<vmem_shared>>
        tpu.wait_indirect_dma semaphore(%run_scoped3A : memref<!tpu.dma_semaphore, #tpu.memory_space<semaphore_mem>>) src(%arg12 : memref<250x64xf32, #tpu.memory_space<vmem>>) dst(%dma_wait3A_81 : memref<10240x64xf32, #tpu.memory_space<vmem_shared>>)
        tpu.yield
      }) : () -> ()
      %rem3A = arith.constant 2 : i32
      %rem3A_42 = arith.remsi %mul3A_36, %rem3A : i32
      %eq3A = arith.cmpi eq, %rem3A_42, %arg0 : i32
      %convert_element_type3A = arith.extui %eq3A : i1 to i32
      %cond3A = arith.constant 0 : i32
      %cond3A_43 = arith.cmpi ne, %convert_element_type3A, %cond3A : i32
      scf.if %cond3A_43 {
        "tpu.region"() ({
          %run_scoped3A = tpu.sem_alloc : memref<!tpu.dma_semaphore, #tpu.memory_space<semaphore_mem>>
          %dma_start3A_70 = arith.constant 0 : i32
          %dma_start3A_71 = tpu.memref_slice %arg11[%mul3A_36, %dma_start3A_70] : memref<80x250xi32, #tpu.memory_space<vmem>> -> memref<1x250xi32, #tpu.memory_space<vmem>>
          %dma_start3A_72 = tpu.memref_squeeze %dma_start3A_71 : memref<1x250xi32, #tpu.memory_space<vmem>> -> memref<250xi32, #tpu.memory_space<vmem>>
          %dma_start3A_73 = arith.constant 0 : i32
          %dma_start3A_74 = arith.constant 0 : i32
          %dma_start3A_75 = tpu.memref_slice %arg16[%dma_start3A_73, %dma_start3A_74] : memref<10240x8xf32, #tpu.memory_space<vmem_shared>> -> memref<10240x8xf32, #tpu.memory_space<vmem_shared>>
          tpu.enqueue_indirect_dma source(%arg14 : memref<250x8xf32, #tpu.memory_space<vmem>>) target(%dma_start3A_75 : memref<10240x8xf32, #tpu.memory_space<vmem_shared>>) offsets(%dma_start3A_72 : memref<250xi32, #tpu.memory_space<vmem>>) semaphore(%run_scoped3A : memref<!tpu.dma_semaphore, #tpu.memory_space<semaphore_mem>>) {add = true}
          %dma_wait3A_76 = arith.constant 0 : i32
          %dma_wait3A_77 = tpu.memref_slice %arg11[%mul3A_36, %dma_wait3A_76] : memref<80x250xi32, #tpu.memory_space<vmem>> -> memref<1x250xi32, #tpu.memory_space<vmem>>
          %dma_wait3A_78 = tpu.memref_squeeze %dma_wait3A_77 : memref<1x250xi32, #tpu.memory_space<vmem>> -> memref<250xi32, #tpu.memory_space<vmem>>
          %dma_wait3A_79 = arith.constant 0 : i32
          %dma_wait3A_80 = arith.constant 0 : i32
          %dma_wait3A_81 = tpu.memref_slice %arg16[%dma_wait3A_79, %dma_wait3A_80] : memref<10240x8xf32, #tpu.memory_space<vmem_shared>> -> memref<10240x8xf32, #tpu.memory_space<vmem_shared>>
          tpu.wait_indirect_dma semaphore(%run_scoped3A : memref<!tpu.dma_semaphore, #tpu.memory_space<semaphore_mem>>) src(%arg14 : memref<250x8xf32, #tpu.memory_space<vmem>>) dst(%dma_wait3A_81 : memref<10240x8xf32, #tpu.memory_space<vmem_shared>>)
          tpu.yield
        }) : () -> ()
      } else {
      }
      %add3A = arith.constant 2 : i32
      %add3A_44 = arith.addi %mul3A_36, %add3A : i32
      %lt3A = arith.constant 80 : i32
      %lt3A_45 = arith.cmpi slt, %add3A_44, %lt3A : i32
      %convert_element_type3A_46 = arith.extui %lt3A_45 : i1 to i32
      %cond3A_47 = arith.constant 0 : i32
      %cond3A_48 = arith.cmpi ne, %convert_element_type3A_46, %cond3A_47 : i32
      scf.if %cond3A_48 {
        %add3A_70 = arith.constant 2 : i32
        %add3A_71 = arith.addi %mul3A_36, %add3A_70 : i32
        %dma_start3A_72 = arith.constant 0 : i32
        %dma_start3A_73 = tpu.memref_slice %arg10[%add3A_71, %dma_start3A_72] : memref<80x250xi32, #tpu.memory_space<vmem>> -> memref<1x250xi32, #tpu.memory_space<vmem>>
        %dma_start3A_74 = tpu.memref_squeeze %dma_start3A_73 : memref<1x250xi32, #tpu.memory_space<vmem>> -> memref<250xi32, #tpu.memory_space<vmem>>
        %dma_start3A_75 = arith.constant 0 : i32
        %dma_start3A_76 = arith.constant 0 : i32
        %dma_start3A_77 = tpu.memref_slice %arg2[%dma_start3A_75, %dma_start3A_76] : memref<20000x64xf32, #tpu.memory_space<hbm>> -> memref<20000x64xf32, #tpu.memory_space<hbm>>
        tpu.enqueue_indirect_dma source(%dma_start3A_77 : memref<20000x64xf32, #tpu.memory_space<hbm>>) target(%arg12 : memref<250x64xf32, #tpu.memory_space<vmem>>) offsets(%dma_start3A_74 : memref<250xi32, #tpu.memory_space<vmem>>) semaphore(%arg17 : memref<!tpu.dma_semaphore, #tpu.memory_space<semaphore_mem>>)
      } else {
      }
      %add3A_49 = arith.constant 1 : i32
      %add3A_50 = arith.addi %mul3A_36, %add3A_49 : i32
      %dma_wait3A_51 = arith.constant 0 : i32
      %dma_wait3A_52 = tpu.memref_slice %arg10[%add3A_50, %dma_wait3A_51] : memref<80x250xi32, #tpu.memory_space<vmem>> -> memref<1x250xi32, #tpu.memory_space<vmem>>
      %dma_wait3A_53 = tpu.memref_squeeze %dma_wait3A_52 : memref<1x250xi32, #tpu.memory_space<vmem>> -> memref<250xi32, #tpu.memory_space<vmem>>
      %dma_wait3A_54 = arith.constant 0 : i32
      %dma_wait3A_55 = arith.constant 0 : i32
      %dma_wait3A_56 = tpu.memref_slice %arg2[%dma_wait3A_54, %dma_wait3A_55] : memref<20000x64xf32, #tpu.memory_space<hbm>> -> memref<20000x64xf32, #tpu.memory_space<hbm>>
      tpu.wait_indirect_dma semaphore(%arg18 : memref<!tpu.dma_semaphore, #tpu.memory_space<semaphore_mem>>) src(%dma_wait3A_56 : memref<20000x64xf32, #tpu.memory_space<hbm>>) dst(%arg13 : memref<250x64xf32, #tpu.memory_space<vmem>>)
      "tpu.region"() ({
        %run_scoped3A = tpu.sem_alloc : memref<!tpu.dma_semaphore, #tpu.memory_space<semaphore_mem>>
        %dma_start3A_70 = arith.constant 0 : i32
        %dma_start3A_71 = tpu.memref_slice %arg11[%add3A_50, %dma_start3A_70] : memref<80x250xi32, #tpu.memory_space<vmem>> -> memref<1x250xi32, #tpu.memory_space<vmem>>
        %dma_start3A_72 = tpu.memref_squeeze %dma_start3A_71 : memref<1x250xi32, #tpu.memory_space<vmem>> -> memref<250xi32, #tpu.memory_space<vmem>>
        %dma_start3A_73 = arith.constant 0 : i32
        %dma_start3A_74 = arith.constant 0 : i32
        %dma_start3A_75 = tpu.memref_slice %arg15[%dma_start3A_73, %dma_start3A_74] : memref<10240x64xf32, #tpu.memory_space<vmem_shared>> -> memref<10240x64xf32, #tpu.memory_space<vmem_shared>>
        tpu.enqueue_indirect_dma source(%arg13 : memref<250x64xf32, #tpu.memory_space<vmem>>) target(%dma_start3A_75 : memref<10240x64xf32, #tpu.memory_space<vmem_shared>>) offsets(%dma_start3A_72 : memref<250xi32, #tpu.memory_space<vmem>>) semaphore(%run_scoped3A : memref<!tpu.dma_semaphore, #tpu.memory_space<semaphore_mem>>) {add = true}
        %dma_wait3A_76 = arith.constant 0 : i32
        %dma_wait3A_77 = tpu.memref_slice %arg11[%add3A_50, %dma_wait3A_76] : memref<80x250xi32, #tpu.memory_space<vmem>> -> memref<1x250xi32, #tpu.memory_space<vmem>>
        %dma_wait3A_78 = tpu.memref_squeeze %dma_wait3A_77 : memref<1x250xi32, #tpu.memory_space<vmem>> -> memref<250xi32, #tpu.memory_space<vmem>>
        %dma_wait3A_79 = arith.constant 0 : i32
        %dma_wait3A_80 = arith.constant 0 : i32
        %dma_wait3A_81 = tpu.memref_slice %arg15[%dma_wait3A_79, %dma_wait3A_80] : memref<10240x64xf32, #tpu.memory_space<vmem_shared>> -> memref<10240x64xf32, #tpu.memory_space<vmem_shared>>
        tpu.wait_indirect_dma semaphore(%run_scoped3A : memref<!tpu.dma_semaphore, #tpu.memory_space<semaphore_mem>>) src(%arg13 : memref<250x64xf32, #tpu.memory_space<vmem>>) dst(%dma_wait3A_81 : memref<10240x64xf32, #tpu.memory_space<vmem_shared>>)
        tpu.yield
      }) : () -> ()
      %rem3A_57 = arith.constant 2 : i32
      %rem3A_58 = arith.remsi %add3A_50, %rem3A_57 : i32
      %eq3A_59 = arith.cmpi eq, %rem3A_58, %arg0 : i32
      %convert_element_type3A_60 = arith.extui %eq3A_59 : i1 to i32
      %cond3A_61 = arith.constant 0 : i32
      %cond3A_62 = arith.cmpi ne, %convert_element_type3A_60, %cond3A_61 : i32
      scf.if %cond3A_62 {
        "tpu.region"() ({
          %run_scoped3A = tpu.sem_alloc : memref<!tpu.dma_semaphore, #tpu.memory_space<semaphore_mem>>
          %dma_start3A_70 = arith.constant 0 : i32
          %dma_start3A_71 = tpu.memref_slice %arg11[%add3A_50, %dma_start3A_70] : memref<80x250xi32, #tpu.memory_space<vmem>> -> memref<1x250xi32, #tpu.memory_space<vmem>>
          %dma_start3A_72 = tpu.memref_squeeze %dma_start3A_71 : memref<1x250xi32, #tpu.memory_space<vmem>> -> memref<250xi32, #tpu.memory_space<vmem>>
          %dma_start3A_73 = arith.constant 0 : i32
          %dma_start3A_74 = arith.constant 0 : i32
          %dma_start3A_75 = tpu.memref_slice %arg16[%dma_start3A_73, %dma_start3A_74] : memref<10240x8xf32, #tpu.memory_space<vmem_shared>> -> memref<10240x8xf32, #tpu.memory_space<vmem_shared>>
          tpu.enqueue_indirect_dma source(%arg14 : memref<250x8xf32, #tpu.memory_space<vmem>>) target(%dma_start3A_75 : memref<10240x8xf32, #tpu.memory_space<vmem_shared>>) offsets(%dma_start3A_72 : memref<250xi32, #tpu.memory_space<vmem>>) semaphore(%run_scoped3A : memref<!tpu.dma_semaphore, #tpu.memory_space<semaphore_mem>>) {add = true}
          %dma_wait3A_76 = arith.constant 0 : i32
          %dma_wait3A_77 = tpu.memref_slice %arg11[%add3A_50, %dma_wait3A_76] : memref<80x250xi32, #tpu.memory_space<vmem>> -> memref<1x250xi32, #tpu.memory_space<vmem>>
          %dma_wait3A_78 = tpu.memref_squeeze %dma_wait3A_77 : memref<1x250xi32, #tpu.memory_space<vmem>> -> memref<250xi32, #tpu.memory_space<vmem>>
          %dma_wait3A_79 = arith.constant 0 : i32
          %dma_wait3A_80 = arith.constant 0 : i32
          %dma_wait3A_81 = tpu.memref_slice %arg16[%dma_wait3A_79, %dma_wait3A_80] : memref<10240x8xf32, #tpu.memory_space<vmem_shared>> -> memref<10240x8xf32, #tpu.memory_space<vmem_shared>>
          tpu.wait_indirect_dma semaphore(%run_scoped3A : memref<!tpu.dma_semaphore, #tpu.memory_space<semaphore_mem>>) src(%arg14 : memref<250x8xf32, #tpu.memory_space<vmem>>) dst(%dma_wait3A_81 : memref<10240x8xf32, #tpu.memory_space<vmem_shared>>)
          tpu.yield
        }) : () -> ()
      } else {
      }
      %add3A_63 = arith.constant 3 : i32
      %add3A_64 = arith.addi %mul3A_36, %add3A_63 : i32
      %lt3A_65 = arith.constant 80 : i32
      %lt3A_66 = arith.cmpi slt, %add3A_64, %lt3A_65 : i32
      %convert_element_type3A_67 = arith.extui %lt3A_66 : i1 to i32
      %cond3A_68 = arith.constant 0 : i32
      %cond3A_69 = arith.cmpi ne, %convert_element_type3A_67, %cond3A_68 : i32
      scf.if %cond3A_69 {
        %add3A_70 = arith.constant 3 : i32
        %add3A_71 = arith.addi %mul3A_36, %add3A_70 : i32
        %dma_start3A_72 = arith.constant 0 : i32
        %dma_start3A_73 = tpu.memref_slice %arg10[%add3A_71, %dma_start3A_72] : memref<80x250xi32, #tpu.memory_space<vmem>> -> memref<1x250xi32, #tpu.memory_space<vmem>>
        %dma_start3A_74 = tpu.memref_squeeze %dma_start3A_73 : memref<1x250xi32, #tpu.memory_space<vmem>> -> memref<250xi32, #tpu.memory_space<vmem>>
        %dma_start3A_75 = arith.constant 0 : i32
        %dma_start3A_76 = arith.constant 0 : i32
        %dma_start3A_77 = tpu.memref_slice %arg2[%dma_start3A_75, %dma_start3A_76] : memref<20000x64xf32, #tpu.memory_space<hbm>> -> memref<20000x64xf32, #tpu.memory_space<hbm>>
        tpu.enqueue_indirect_dma source(%dma_start3A_77 : memref<20000x64xf32, #tpu.memory_space<hbm>>) target(%arg13 : memref<250x64xf32, #tpu.memory_space<vmem>>) offsets(%dma_start3A_74 : memref<250xi32, #tpu.memory_space<vmem>>) semaphore(%arg18 : memref<!tpu.dma_semaphore, #tpu.memory_space<semaphore_mem>>)
      } else {
      }
    }
    %scan3A_24 = arith.constant 40 : i32
    %barrier3A_25 = arith.constant 0 : index
    tpu.barrier barrier_id(%barrier3A_25)
    %mul3A_26 = arith.constant 640 : i32
    %mul3A_27 = arith.muli %arg1, %mul3A_26 : i32
    %mul3A_28 = arith.constant 640 : i32
    %mul3A_29 = arith.muli %arg1, %mul3A_28 : i32
    "tpu.region"() ({
      %run_scoped3A = tpu.sem_alloc : memref<!tpu.dma_semaphore, #tpu.memory_space<semaphore_mem>>
      %dma_start3A_34 = arith.constant 0 : i32
      %dma_start3A_35 = tpu.memref_slice %arg8[%arg0, %mul3A_29, %dma_start3A_34] : memref<2x10240x64xf32, #tpu.memory_space<hbm>> -> memref<1x640x64xf32, #tpu.memory_space<hbm>>
      %dma_start3A_36 = tpu.memref_squeeze %dma_start3A_35 : memref<1x640x64xf32, #tpu.memory_space<hbm>> -> memref<640x64xf32, #tpu.memory_space<hbm>>
      %dma_start3A_37 = arith.constant 0 : i32
      %dma_start3A_38 = tpu.memref_slice %arg15[%mul3A_27, %dma_start3A_37] : memref<10240x64xf32, #tpu.memory_space<vmem_shared>> -> memref<640x64xf32, #tpu.memory_space<vmem_shared>>
      tpu.enqueue_dma source(%dma_start3A_38 : memref<640x64xf32, #tpu.memory_space<vmem_shared>>) target(%dma_start3A_36 : memref<640x64xf32, #tpu.memory_space<hbm>>) target_semaphore(%run_scoped3A : memref<!tpu.dma_semaphore, #tpu.memory_space<semaphore_mem>>)
      %dma_wait3A = arith.constant 0 : i32
      %dma_wait3A_39 = tpu.memref_slice %arg8[%arg0, %mul3A_29, %dma_wait3A] : memref<2x10240x64xf32, #tpu.memory_space<hbm>> -> memref<1x640x64xf32, #tpu.memory_space<hbm>>
      %dma_wait3A_40 = tpu.memref_squeeze %dma_wait3A_39 : memref<1x640x64xf32, #tpu.memory_space<hbm>> -> memref<640x64xf32, #tpu.memory_space<hbm>>
      %dma_wait3A_41 = arith.constant 0 : i32
      %dma_wait3A_42 = tpu.memref_slice %arg15[%mul3A_27, %dma_wait3A_41] : memref<10240x64xf32, #tpu.memory_space<vmem_shared>> -> memref<640x64xf32, #tpu.memory_space<vmem_shared>>
      tpu.wait_dma2 semaphore(%run_scoped3A : memref<!tpu.dma_semaphore, #tpu.memory_space<semaphore_mem>>) src(%dma_wait3A_42 : memref<640x64xf32, #tpu.memory_space<vmem_shared>>) dst(%dma_wait3A_40 : memref<640x64xf32, #tpu.memory_space<hbm>>)
      tpu.yield
    }) : () -> ()
    %mul3A_30 = arith.constant 640 : i32
    %mul3A_31 = arith.muli %arg1, %mul3A_30 : i32
    %mul3A_32 = arith.constant 640 : i32
    %mul3A_33 = arith.muli %arg1, %mul3A_32 : i32
    "tpu.region"() ({
      %run_scoped3A = tpu.sem_alloc : memref<!tpu.dma_semaphore, #tpu.memory_space<semaphore_mem>>
      %dma_start3A_34 = arith.constant 0 : i32
      %dma_start3A_35 = tpu.memref_slice %arg9[%arg0, %mul3A_33, %dma_start3A_34] : memref<2x10240x8xf32, #tpu.memory_space<hbm>> -> memref<1x640x8xf32, #tpu.memory_space<hbm>>
      %dma_start3A_36 = tpu.memref_squeeze %dma_start3A_35 : memref<1x640x8xf32, #tpu.memory_space<hbm>> -> memref<640x8xf32, #tpu.memory_space<hbm>>
      %dma_start3A_37 = arith.constant 0 : i32
      %dma_start3A_38 = tpu.memref_slice %arg16[%mul3A_31, %dma_start3A_37] : memref<10240x8xf32, #tpu.memory_space<vmem_shared>> -> memref<640x8xf32, #tpu.memory_space<vmem_shared>>
      tpu.enqueue_dma source(%dma_start3A_38 : memref<640x8xf32, #tpu.memory_space<vmem_shared>>) target(%dma_start3A_36 : memref<640x8xf32, #tpu.memory_space<hbm>>) target_semaphore(%run_scoped3A : memref<!tpu.dma_semaphore, #tpu.memory_space<semaphore_mem>>)
      %dma_wait3A = arith.constant 0 : i32
      %dma_wait3A_39 = tpu.memref_slice %arg9[%arg0, %mul3A_33, %dma_wait3A] : memref<2x10240x8xf32, #tpu.memory_space<hbm>> -> memref<1x640x8xf32, #tpu.memory_space<hbm>>
      %dma_wait3A_40 = tpu.memref_squeeze %dma_wait3A_39 : memref<1x640x8xf32, #tpu.memory_space<hbm>> -> memref<640x8xf32, #tpu.memory_space<hbm>>
      %dma_wait3A_41 = arith.constant 0 : i32
      %dma_wait3A_42 = tpu.memref_slice %arg16[%mul3A_31, %dma_wait3A_41] : memref<10240x8xf32, #tpu.memory_space<vmem_shared>> -> memref<640x8xf32, #tpu.memory_space<vmem_shared>>
      tpu.wait_dma2 semaphore(%run_scoped3A : memref<!tpu.dma_semaphore, #tpu.memory_space<semaphore_mem>>) src(%dma_wait3A_42 : memref<640x8xf32, #tpu.memory_space<vmem_shared>>) dst(%dma_wait3A_40 : memref<640x8xf32, #tpu.memory_space<hbm>>)
      tpu.yield
    }) : () -> ()
    return
  }
}

module attributes {stable_mosaic.version = 14 : i64} {
  func.func @_combine_body(%arg0: i32, %arg1: memref<2000x128xf32, #tpu.memory_space<vmem>>, %arg2: memref<2x2000x64xf32, #tpu.memory_space<vmem>>, %arg3: memref<2x2000x8xf32, #tpu.memory_space<vmem>>, %arg4: memref<128x128xf32, #tpu.memory_space<vmem>>, %arg5: memref<128x128xf32, #tpu.memory_space<vmem>>, %arg6: memref<2000x128xf32, #tpu.memory_space<vmem>>) attributes {dimension_semantics = [#tpu.dimension_semantics<arbitrary>], iteration_bounds = array<i64: 5>, scalar_prefetch = 0 : i64, scratch_operands = 0 : i64, tpu.core_type = #tpu.core_type<tc>, window_params = [{transform_indices = @transform_0, window_bounds = array<i64: 2000, 128>}, {transform_indices = @transform_1, window_bounds = array<i64: 2, 2000, 64>}, {transform_indices = @transform_2, window_bounds = array<i64: 2, 2000, 8>}, {pipeline_mode = #tpu.pipeline_mode<synchronous>, transform_indices = @transform_3, window_bounds = array<i64: 128, 128>}, {pipeline_mode = #tpu.pipeline_mode<synchronous>, transform_indices = @transform_4, window_bounds = array<i64: 128, 128>}, {transform_indices = @transform_5, window_bounds = array<i64: 2000, 128>}]} {
    %get3A = arith.constant 0 : index
    %get3A_0 = arith.constant 0 : index
    %get3A_1 = arith.constant 0 : index
    %get3A_2 = vector.load %arg3[%get3A, %get3A_0, %get3A_1] : memref<2x2000x8xf32, #tpu.memory_space<vmem>>, vector<1x2000x1xf32>
    %get3A_3 = vector.shape_cast %get3A_2 : vector<1x2000x1xf32> to vector<2000x1xf32>
    %get3A_4 = arith.constant 1 : index
    %get3A_5 = arith.constant 0 : index
    %get3A_6 = arith.constant 0 : index
    %get3A_7 = vector.load %arg3[%get3A_4, %get3A_5, %get3A_6] : memref<2x2000x8xf32, #tpu.memory_space<vmem>>, vector<1x2000x1xf32>
    %get3A_8 = vector.shape_cast %get3A_7 : vector<1x2000x1xf32> to vector<2000x1xf32>
    %add3A = arith.addf %get3A_3, %get3A_8 : vector<2000x1xf32>
    %get3A_9 = arith.constant 0 : index
    %get3A_10 = arith.constant 0 : index
    %get3A_11 = arith.constant 0 : index
    %get3A_12 = vector.load %arg2[%get3A_9, %get3A_10, %get3A_11] : memref<2x2000x64xf32, #tpu.memory_space<vmem>>, vector<1x2000x64xf32>
    %get3A_13 = vector.shape_cast %get3A_12 : vector<1x2000x64xf32> to vector<2000x64xf32>
    %get3A_14 = arith.constant 1 : index
    %get3A_15 = arith.constant 0 : index
    %get3A_16 = arith.constant 0 : index
    %get3A_17 = vector.load %arg2[%get3A_14, %get3A_15, %get3A_16] : memref<2x2000x64xf32, #tpu.memory_space<vmem>>, vector<1x2000x64xf32>
    %get3A_18 = vector.shape_cast %get3A_17 : vector<1x2000x64xf32> to vector<2000x64xf32>
    %concatenate3A = tpu.concatenate %get3A_13, %get3A_18 in 1 : vector<2000x64xf32>, vector<2000x64xf32> -> vector<2000x128xf32>
    %max3A = arith.constant 1.000000e+00 : f32
    %max3A_19 = vector.broadcast %max3A : f32 to vector<2000x1xf32>
    %max3A_20 = arith.maximumf %add3A, %max3A_19 : vector<2000x1xf32>
    %div3A = vector.broadcast %max3A_20 : vector<2000x1xf32> to vector<2000x128xf32>
    %div3A_21 = arith.divf %concatenate3A, %div3A : vector<2000x128xf32>
    %get3A_22 = arith.constant 0 : index
    %get3A_23 = arith.constant 0 : index
    %get3A_24 = vector.load %arg1[%get3A_22, %get3A_23] : memref<2000x128xf32, #tpu.memory_space<vmem>>, vector<2000x128xf32>
    %get3A_25 = arith.constant 0 : index
    %get3A_26 = arith.constant 0 : index
    %get3A_27 = vector.load %arg5[%get3A_25, %get3A_26] : memref<128x128xf32, #tpu.memory_space<vmem>>, vector<128x128xf32>
    %dot_general3A = arith.constant dense<0.000000e+00> : vector<2000x128xf32>
    %dot_general3A_28 = tpu.matmul %get3A_24, %get3A_27, %dot_general3A {dimension_numbers = #tpu.dot_dimension_numbers<[1], [0], [0], [1], [0, 0, 1, 1], [], []>, transpose_lhs_hint = false} : vector<2000x128xf32>, vector<128x128xf32>, vector<2000x128xf32> -> vector<2000x128xf32>
    %get3A_29 = arith.constant 0 : index
    %get3A_30 = arith.constant 0 : index
    %get3A_31 = vector.load %arg4[%get3A_29, %get3A_30] : memref<128x128xf32, #tpu.memory_space<vmem>>, vector<128x128xf32>
    %dot_general3A_32 = arith.constant dense<0.000000e+00> : vector<2000x128xf32>
    %dot_general3A_33 = tpu.matmul %div3A_21, %get3A_31, %dot_general3A_32 {dimension_numbers = #tpu.dot_dimension_numbers<[1], [0], [0], [1], [0, 0, 1, 1], [], []>, transpose_lhs_hint = false} : vector<2000x128xf32>, vector<128x128xf32>, vector<2000x128xf32> -> vector<2000x128xf32>
    %add3A_34 = arith.addf %dot_general3A_28, %dot_general3A_33 : vector<2000x128xf32>
    %swap3A = arith.constant 0 : index
    %swap3A_35 = arith.constant 0 : index
    %swap3A_36 = vector.load %arg6[%swap3A, %swap3A_35] : memref<2000x128xf32, #tpu.memory_space<vmem>>, vector<2000x128xf32>
    tpu.vector_store %arg6[%swap3A, %swap3A_35], %add3A_34 {strides = array<i32>} : memref<2000x128xf32, #tpu.memory_space<vmem>>, vector<2000x128xf32>,
    return
  }
  func.func @transform_0(%arg0: i32) -> (i32, i32) {
    %c0_i32 = arith.constant 0 : i32
    %c0_i32_0 = arith.constant 0 : i32
    return %arg0, %c0_i32 : i32, i32
  }
  func.func @transform_1(%arg0: i32) -> (i32, i32, i32) {
    %c0_i32 = arith.constant 0 : i32
    %c0_i32_0 = arith.constant 0 : i32
    %c0_i32_1 = arith.constant 0 : i32
    return %c0_i32, %arg0, %c0_i32_0 : i32, i32, i32
  }
  func.func @transform_2(%arg0: i32) -> (i32, i32, i32) {
    %c0_i32 = arith.constant 0 : i32
    %c0_i32_0 = arith.constant 0 : i32
    %c0_i32_1 = arith.constant 0 : i32
    return %c0_i32, %arg0, %c0_i32_0 : i32, i32, i32
  }
  func.func @transform_3(%arg0: i32) -> (i32, i32) {
    %c0_i32 = arith.constant 0 : i32
    %c0_i32_0 = arith.constant 0 : i32
    %c0_i32_1 = arith.constant 0 : i32
    return %c0_i32, %c0_i32_0 : i32, i32
  }
  func.func @transform_4(%arg0: i32) -> (i32, i32) {
    %c0_i32 = arith.constant 0 : i32
    %c0_i32_0 = arith.constant 0 : i32
    %c0_i32_1 = arith.constant 0 : i32
    return %c0_i32, %c0_i32_0 : i32, i32
  }
  func.func @transform_5(%arg0: i32) -> (i32, i32) {
    %c0_i32 = arith.constant 0 : i32
    %c0_i32_0 = arith.constant 0 : i32
    return %arg0, %c0_i32 : i32, i32
  }
}

</mosaic_0001>

<sc_bundles>
// kernel: kernel.4.cloned.1.call-start
scs
__scs_entry_jumppad:
0x0: {  	(pc) =	sbr.rel $0x88, $3  }
0x1: {  	(tag) =	ssettag $0x0;
	lr =	simm.s32 $0x1  }
0x2: {  	[smem:$0x3F9D] =	sst lr;
	_ =	strace $0xD0000000  }
0x3: {  	_ = 	snop  }
0x4: {  	_ = 	snop  }
0x5: {  	_ = 	snop  }
0x6: {  	_ = 	snop  }
0x7: {  	_ = 	snop  }
__scs_overlays_trampoline_lowered:
0x8: {  	[smem:$0x3FAC] =	sst s0  }
0x9: {  	[smem:$0x3FAD] =	sst s1  }
0xa: {  	[smem:$0x3FAE] =	sst s2  }
0xb: {  	[smem:$0x3FAF] =	sst s3  }
0xc: {  	[smem:$0x3FB0] =	sst s4  }
0xd: {  	[smem:$0x3FB1] =	sst s5  }
0xe: {  	[smem:$0x3FB2] =	sst s6  }
0xf: {  	[smem:$0x3FB3] =	sst s7  }
0x10: {  	[smem:$0x3FB4] =	sst s8  }
0x11: {  	[smem:$0x3FB5] =	sst s9;
	s0 =	simm.s32 @!p0 $0x0  }
0x12: {  	s1 =	sld [smem:$0x3F9B];
	s0 =	simm.s32 @p0 $0x1  }
0x13: {  	[smem:$0x3FB6] =	sst s0;
	s0 =	simm.s32 @!p1 $0x0  }
0x14: {  	s2 =	sld [smem:$0x3F9A];
	s0 =	simm.s32 @p1 $0x1  }
0x15: {  	[smem:$0x3FB7] =	sst s0;
	s0 =	simm.s32 @!p2 $0x0  }
0x16: {  	s3 =	sld [smem:$0x3FDB];
	s0 =	simm.s32 @p2 $0x1  }
0x17: {  	s4 =	simm.s32 $0x1BF5;
	[smem:$0x3FB9] =	sst s0  }
0x18: {  	s0 =	sld [smem:$0x3F9C];
	_ =	swait.ge [sflag:s4], $0x0  }
0x19: {  	s7 =	sld [smem:$0x3F9D]  }
0x1a: {  	s8 =	sadd.s32 $0xFFFFE003, lr  }
0x1b: {  	s9 =	sadd.s32 $0xFFFFFEF7, lr;
	s5 =	simm.s32 $0xFFFFFFFF;
	p2 =	slt.u32 s8, $0xFFFFF086  }
0x1c: {  	p1 =	slt.u32 s9, $0xF7A;
	s5 =	simm.s32 @!p2 $0x0  }
0x1d: {  	s5 =	simm.s32 @p1 $0x1;
	p0 =	seq.s32 s7, s2  }
0x1e: {  	s7 =	smul.u32 @!p0 $0xF7A, s2;
	p2 =	seq.s32 @!p0 s5, $0x0  }
0x1f: {  	s9 =	smul.u32 $0xF7A, s1;
	s8 =	simm.s32 @!p0 $0x1BF5;
	p2 =	por !p2, p0  }
0x20: {  	[sflag:s8] =	ssyncset.s32 @!p0 $0xFFFFF086;
	s6 =	sadd.s32 @!p0 s3, s7;
	s7 =	simm.s32 @!p0 $0x108  }
0x21: {  	s3 =	sadd.s32 s3, s9;
	s6 =	sadd.s32 @!p0 $0x88, s6;
	s7 =	simm.s32 @p2 $0x1082  }
0x22: {  	[simem:s7], [sflag:s8] =	dma.local @!p0 [hbm:s6], $0xF7A  }
0x23: {  	s9 =	sor.u32 $0xD0000000, s2;
	s6 =	simm.s32 $0x108;
	_ =	swait.ge @!p0 [sflag:s8], $0x0  }
0x24: {  	s3 =	sadd.s32 $0x88, s3;
	s6 =	simm.s32 @!p1 $0x1082;
	[sflag:s4] =	ssyncset.s32 $0xFFFFF086  }
0x25: {  	[simem:s6], [sflag:s4] =	dma.local [hbm:s3], $0xF7A  }
0x26: {  	[smem:$0x3F9D] =	sst s1;
	(tag) =	ssettag s2;
	_ =	strace s9  }
0x27: {  	s1 =	sld [smem:$0x3FAD]  }
0x28: {  	s2 =	sld [smem:$0x3FAE]  }
0x29: {  	s4 =	sld [smem:$0x3FB0]  }
0x2a: {  	p0 =	seq.s32 s5, $0x0;
	s5 =	sld [smem:$0x3FB1]  }
0x2b: {  	s6 =	sld [smem:$0x3FB2]  }
0x2c: {  	s7 =	sld [smem:$0x3FB3]  }
0x2d: {  	s3 =	simm.s32 $0x108;
	s8 =	sld [smem:$0x3FB4]  }
0x2e: {  	s3 =	simm.s32 @!p0 $0x1082;
	s9 =	sld [smem:$0x3FB5]  }
0x2f: {  	lr =	sadd.s32 s0, s3;
	s0 =	sld [smem:$0x3FAC]  }
0x30: {  	s3 =	sld [smem:$0x3FAF]  }
0x31: {  	[smem:$0x3FB8] =	sst s10  }
0x32: {  	s10 =	sld [smem:$0x3FB6];
	_ =	sdelay $0x3  }
0x33: {  	p0 =	seq.s32 s10, $0x1;
	s10 =	sld [smem:$0x3FB8];
	_ =	sdelay $0x3  }
0x34: {  	[smem:$0x3FB8] =	sst s10  }
0x35: {  	s10 =	sld [smem:$0x3FB7];
	_ =	sdelay $0x3  }
0x36: {  	p1 =	seq.s32 s10, $0x1;
	s10 =	sld [smem:$0x3FB8];
	_ =	sdelay $0x3  }
0x37: {  	[smem:$0x3FB8] =	sst s10  }
0x38: {  	s10 =	sld [smem:$0x3FB9]  }
0x39: {  	_ = 	snop;
	(pc) =	sbr.ind lr, $3  }
0x3a: {  	_ = 	snop  }
0x3b: {  	_ = 	snop  }
0x3c: {  	p2 =	seq.s32 s10, $0x1;
	s10 =	sld [smem:$0x3FB8]  }
0x3d: {  	_ =	shalt  }
0x3e: {  	_ =	shalt  }
0x3f: {  	_ =	shalt  }
0x40: {  	_ =	shalt  }
0x41: {  	_ =	shalt  }
0x42: {  	_ =	shalt  }
0x43: {  	_ =	shalt  }
0x44: {  	_ =	shalt  }
0x45: {  	_ =	shalt  }
0x46: {  	_ =	shalt  }
0x47: {  	_ =	shalt  }
0x48: {  	_ =	shalt  }
0x49: {  	_ =	shalt  }
0x4a: {  	_ =	shalt  }
0x4b: {  	_ =	shalt  }
0x4c: {  	_ =	shalt  }
0x4d: {  	_ =	shalt  }
0x4e: {  	_ =	shalt  }
0x4f: {  	_ =	shalt  }
0x50: {  	_ =	shalt  }
0x51: {  	_ =	shalt  }
0x52: {  	_ =	shalt  }
0x53: {  	_ =	shalt  }
0x54: {  	_ =	shalt  }
0x55: {  	_ =	shalt  }
0x56: {  	_ =	shalt  }
0x57: {  	_ =	shalt  }
0x58: {  	_ =	shalt  }
0x59: {  	_ =	shalt  }
0x5a: {  	_ =	shalt  }
0x5b: {  	_ =	shalt  }
0x5c: {  	_ =	shalt  }
0x5d: {  	_ =	shalt  }
0x5e: {  	_ =	shalt  }
0x5f: {  	_ =	shalt  }
0x60: {  	_ =	shalt  }
0x61: {  	_ =	shalt  }
0x62: {  	_ =	shalt  }
0x63: {  	_ =	shalt  }
0x64: {  	_ =	shalt  }
0x65: {  	_ =	shalt  }
0x66: {  	_ =	shalt  }
0x67: {  	_ =	shalt  }
0x68: {  	_ =	shalt  }
0x69: {  	_ =	shalt  }
0x6a: {  	_ =	shalt  }
0x6b: {  	_ =	shalt  }
0x6c: {  	_ =	shalt  }
0x6d: {  	_ =	shalt  }
0x6e: {  	_ =	shalt  }
0x6f: {  	_ =	shalt  }
0x70: {  	_ =	shalt  }
0x71: {  	_ =	shalt  }
0x72: {  	_ =	shalt  }
0x73: {  	_ =	shalt  }
0x74: {  	_ =	shalt  }
0x75: {  	_ =	shalt  }
0x76: {  	_ =	shalt  }
0x77: {  	_ =	shalt  }
0x78: {  	_ =	shalt  }
0x79: {  	_ =	shalt  }
0x7a: {  	_ =	shalt  }
0x7b: {  	_ =	shalt  }
0x7c: {  	_ =	shalt  }
0x7d: {  	_ =	shalt  }
0x7e: {  	_ =	shalt  }
0x7f: {  	_ =	shalt  }
0x80: {  	_ =	shalt  }
0x81: {  	_ =	shalt  }
0x82: {  	_ =	shalt  }
0x83: {  	_ =	shalt  }
0x84: {  	_ =	shalt  }
0x85: {  	_ =	shalt  }
0x86: {  	_ =	shalt  }
0x87: {  	_ =	shalt  }
.Lfunc_end0:
.L_simem_size_0:
called_computation_lowered:
.L_overlay_start_0:
0x88: {  	s2 =	sld [smem:$0x3FD9]  }
0x89: {  	s3 =	sld [smem:$0x3FFE];
	_ =	sdelay $0x1  }
0x8a: {  	s1 =	srdreg.scid  }
0x8b: {  	s0 =	sand.u32 $0x1, s1  }
0x8c: {  	s17 =	sshll.u32 s0, $0xA;
	s2 =	sadd.s32 s3, s2  }
0x8d: {  	s2 =	sadd.s32 s2, s17  }
0x8e: {  	[smem:$0x3FC4] =	sst s2  }
0x8f: {  	_ = 	snop  }
0x90: {  	s2 =	sld [smem:$0x3FC9]  }
0x91: {  	s18 =	sld [smem:$0x3FD0];
	(tm) =	ssettm $0x1  }
0x92: {  	s4 =	sld [smem:$0x3FFB];
	_ =	sdelay $0x3  }
0x93: {  	_ =	strace s4  }
0x94: {  	s4 =	sld [smem:$0x3FFC];
	_ =	sdelay $0x3  }
0x95: {  	_ =	strace s4  }
0x96: {  	s4 =	sld [smem:$0x3FFD];
	_ =	sdelay $0x3  }
0x97: {  	_ =	strace s4  }
0x98: {  	_ =	strace $0x8FFFFFFF  }
0x99: {  	s19 =	sld [smem:$0x3FDB];
	_ =	sdelay $0x1  }
0x9a: {  	s5 =	simm.s32 $_scs_section_size  }
0x9b: {  	s6 =	simm.s32 $_size__tile_overlayer_lowered;
	s7 =	simm.s32 $_tile_overlayer_lowered  }
0x9c: {  	s22 =	simm.s32 $0x1BFF;
	s21 =	sshll.u32 s7, $0x1;
	s4 =	sadd.s32 s5, s19  }
0x9d: {  	s8 =	simm.s32 $0x0;
	s20 =	sshll.u32 s6, $0x1;
	s6 =	sadd.s32 s21, s4  }
0x9e: {  	[timem:s8], [sflag:s22] =	dma.local [hbm:s6], s20  }
0x9f: {  	_ =	swait.ge [sflag:s22], s20  }
0xa0: {  	s5 =	ssub.s32 $0x0, s20;
	[sflag:s22] =	ssyncset.done $0x0  }
0xa1: {  	[sflag:s22] =	ssyncadd.s32 s5;
	_ =	sdelay $0x1  }
0xa2: {  	s23 =	simm.s32 $0x1B8B  }
0xa3: {  	_ =	swait.ge [sflag:s23], $0x1  }
0xa4: {  	[sflag:s23] =	ssyncset.done $0x0  }
0xa5: {  	s25 =	simm.s32 $0x1B8E;
	s24 =	sld [smem:$0x3FFE];
	[sflag:s23] =	ssyncadd.s32 $0xFFFFFFFF  }
0xa6: {  	s26 =	simm.s32 $execute0_lowered;
	[smem:$0x3FD2] =	sst s25  }
0xa7: {  	s6 =	sshll.u32 s26, $0x1;
	_ =	strace $0x80000046;
	[dreg:$0x1] =	wrdreg $0xFFFFFFFF  }
0xa8: {  	s28 =	simm.s32 $_size_execute0_lowered;
	s4 =	sadd.s32 s4, s6;
	[dreg:$0x0] =	wrdreg $0x0  }
0xa9: {  	s6 =	sshll.u32 s28, $0x1;
	[dreg:$0x2] =	wrdreg s4  }
0xaa: {  	[dreg:$0x3] =	wrdreg s6  }
0xab: {  	[dreg:$0x4] =	wrdreg $0xC0  }
0xac: {  	_ =	task [dreg:s8], $0x5FFFF  }
0xad: {  	[dreg:$0x1] =	wrdreg $0xFFFFFFFF  }
0xae: {  	[dreg:$0x0] =	wrdreg $0x60  }
0xaf: {  	[dreg:$0x2] =	wrdreg s2  }
0xb0: {  	[dreg:$0x3] =	wrdreg s18  }
0xb1: {  	[dreg:$0x4] =	wrdreg s24  }
0xb2: {  	[dreg:$0x5] =	wrdreg $0x124D00  }
0xb3: {  	[dreg:$0x6] =	wrdreg $0x1C4D00  }
0xb4: {  	[dreg:$0x7] =	wrdreg $0x9  }
0xb5: {  	_ =	task.clear_ibuf [dreg:s8], $0x8FFFF;
	_ =	strace $0x90000046  }
0xb6: {  	s29 =	simm.s32 $0x9;
	_ =	strace $0x80000048  }
0xb7: {  	_ =	swait.ge [sflag:s29], $0x1  }
0xb8: {  	[sflag:s29] =	ssyncadd.s32 $0xFFFFFFFF  }
0xb9: {  	_ =	strace $0x90000048  }
0xba: {  	_ =	sfence  }
0xbb: {  	s30 =	sld [smem:$0x0];
	_ =	sdelay $0x2  }
0xbc: {  	s31 =	sshll.u32 s1, $0xD;
	s1 =	sshrl.u32 s1, $0x2  }
0xbd: {  	s3 =	sand.u32 $0x4000, s31;
	s1 =	sadd.s32 s1, s30  }
0xbe: {  	s0 =	sor.u32 s3, s0;
	s1 =	sshll.u32 s1, $0x11  }
0xbf: {  	s0 =	sor.u32 s1, s0  }
0xc0: {  	s0 =	sadd.s32 $0x8F2B, s0  }
0xc1: {  	[sflag:s0] =	ssyncadd.remote.s32 $0x1  }
0xc2: {  	_ =	sfence.sel $0xFFFF  }
0xc3: {  	[dreg:$0x0] =	wrdreg $0xFFFFFFFF;
	(pc) =	sbr.abs _section_cstart, $3  }
0xc4: {  	[dreg:$0x1] =	wrdreg $0xFFFFFFFF  }
0xc5: {  	_ =	task.clear_ibuf [dreg:s8], $0x2FFFF;
	_ =	strace $0x9FFFFFFF  }
0xc6: {  	(tm) =	ssettm $0x7FFFFFFF  }
0xc7: {  	_ =	shalt  }
tec
execute0_lowered:
.L_overlay_start_1:
0x0: {  	(tag) =	ssettag $0x1  }
0x1: {  	s1 =	rddreg [dreg:$0x0]  }
0x2: {  	s0 =	rddreg [dreg:$0x1]  }
0x3: {  	s2 =	rddreg [dreg:$0x2]  }
0x4: {  	s3 =	rddreg [dreg:$0x3]  }
0x5: {  	s4 =	rddreg [dreg:$0x4];
	s20 =	stileid.u32  }
0x6: {  	s5 =	simm.s32 $0x0;
	s6 =	srdreg.scid;
	s8 =	smul.u32 $0x5000, s20  }
0x7: {  	s21 =	simm.s32 $0xA000;
	s28 =	simm.s32 $0x0;
	s7 =	smul.u32 $0xA000, s20  }
0x8: {  	[smem:$0x7FF] =	sst s5;
	s9 =	smul.u32 $0x1400, s20;
	s18 =	sand.u32 $0x1, s6  }
0x9: {  	s6 =	sadd.s32 $0xA800, s2;
	s26 =	sshll.u32 s20, $0x6;
	s11 =	smul.u32 $0xA0000, s18  }
0xa: {  	s20 =	simm.s32 $0xFA;
	_ =	strace $0x80000047;
	s13 =	smul.u32 $0x14000, s18  }
0xb: {  	s25 =	ssub.s32 $0x2, s18;
	s17 =	smul.u32 $0x50000, s18;
	p0 =	sne.s32 s18, $0x0  }
0xc: {  	p1 =	seq.s32 s18, $0x0;
	s22 =	sshrl.u32 s8, $0x3;
	s10 =	sshrl.u32 s7, $0x3  }
0xd: {  	s23 =	sshrl.u32 s9, $0x3;
	s16 =	sshrl.u32 s25, $0x1;
	s19 =	sadd.s32 s7, s3  }
0xe: {  	s30 =	sadd.s32 s9, s4;
	s12 =	sadd.s32 s22, s2;
	s10 =	sadd.s32 s10, s2  }
0xf: {  	s11 =	sadd.s32 s7, s11;
	s14 =	sadd.s32 s23, s2;
	s24 =	sadd.s32 s9, s13  }
0x10: {  	s16 =	ssub.s32 s25, s16;
	s29 =	sadd.s32 s8, s17;
	s8 =	sor.u32 $0x1C03, s26  }
0x11: {  	s17 =	sshrl.u32 s30, $0x3;
	s23 =	simm.s32 $0xDE80;
	s25 =	simm.s32 $0x2  }
0x12: {  	s11 =	sshrl.u32 s11, $0x3;
	s7 =	sadd.s32 $0xD200, s10;
	s31 =	sshrl.u32 s29, $0x3  }
0x13: {  	s9 =	sadd.s32 $0xAA00, s14;
	s14 =	smax.u32 s16, $0x1;
	s16 =	simm.s32 $0x3  }
0x14: {  	s15 =	sadd.s32 s11, s2;
	s11 =	sshrl.u32 s24, $0x3;
	s10 =	sadd.s32 s0, s31  }
0x15: {  	s24 =	simm.s32 $0x1;
	s2 =	sadd.s32 s11, s2;
	s11 =	sadd.s32 $0x800, s12  }
0x16: {  	s12 =	sadd.s32 $0x21200, s15;
	s15 =	sshrl.u32 s19, $0x3;
	s13 =	sadd.s32 $0x49200, s2  }
.LBB2_1:
0x17: {  	[spmem:s15], [sflag:s8] =	dma.local [hbm:s7], $0x1400  }
0x18: {  	_ =	swait.ge [sflag:s16], $0x1400  }
0x19: {  	[sflag:s16] =	ssyncset.done $0x0  }
0x1a: {  	[sflag:s16] =	ssyncadd.s32 $0xFFFFEC00  }
0x1b: {  	[spmem:s17], [sflag:s8] =	dma.local [hbm:s9], $0x280  }
0x1c: {  	_ =	swait.ge [sflag:s16], $0x280  }
0x1d: {  	[sflag:s16] =	ssyncset.done $0x0  }
0x1e: {  	[sflag:s16] =	ssyncadd.s32 $0xFFFFFD80  }
0x1f: {  	[tilespmem:s5], [sflag:$0x3] =	stream.linear.gather [hbm4b:s10+s5], $0x5000, $0x38;
	[tilespmem:$0x1D8D0] =	vst v63  }
0x20: {  	_ =	swait.ge [sflag:s16], $0x5000  }
0x21: {  	[sflag:s16] =	ssyncset.done $0x0  }
0x22: {  	s0 =	simm.s32 $0x5000;
	[sflag:s16] =	ssyncadd.s32 $0xFFFFB000  }
0x23: {  	[tilespmem:s0], [sflag:$0x3] =	stream.linear.gather [hbm4b:s11+s5], $0x5000, $0x38;
	[tilespmem:$0x1D8D0] =	vst v63  }
0x24: {  	_ =	swait.ge [sflag:s16], $0x5000  }
0x25: {  	[sflag:s16] =	ssyncset.done $0x0  }
0x26: {  	s19 =	simm.s32 $0x11D00;
	[sflag:s16] =	ssyncadd.s32 $0xFFFFB000  }
0x27: {  	[tilespmem:s19], [sflag:$0x3] =	stream.linear.gather [hbm4b:s6+s5], $0x7D0, $0x38;
	[tilespmem:$0x1D8D0] =	vst v63  }
0x28: {  	_ =	swait.ge [sflag:s16], $0x7D0  }
0x29: {  	[sflag:s16] =	ssyncset.done $0x0  }
0x2a: {  	[sflag:s16] =	ssyncadd.s32 $0xFFFFF830  }
0x2b: {  	[bflag:$0x0] =	sbarrier.arrive $0xFFFF  }
0x2c: {  	[tilespmem:s21], [sflag:$0x1] =	stream.indirect.gather [hbm4b:s1+s20], $0x40, s5, s20, $0xb8;
	[tilespmem:$0x1D8D0] =	vst v63  }
0x2d: {  	s22 =	simm.s32 $0x100  }
0x2e: {  	[tilespmem:s23], [sflag:$0x2] =	stream.indirect.gather [hbm4b:s1+s20], $0x40, s22, s20, $0xb8;
	[tilespmem:$0x1D8D0] =	vst v63  }
0x2f: {  	_ =	swait.ge [sflag:s24], $0x3E80  }
0x30: {  	[sflag:s24] =	ssyncset.done $0x0  }
0x31: {  	s0 =	simm.s32 $0x5000;
	[sflag:s24] =	ssyncadd.s32 $0xFFFFC180  }
0x32: {  	[spmem:s3] =	stream.indirect.scatter.add.f32 [tilespmem:s21], [sflag:$0x3], $0x40, s0, s20, $0xb8;
	[tilespmem:$0x1D8D0] =	vst v63  }
0x33: {  	_ =	swait.ge [sflag:s16], $0x3E80  }
0x34: {  	s29 =	simm.s32 @!p0 $0x3;
	[sflag:s16] =	ssyncset.done $0x0  }
0x35: {  	s30 =	simm.s32 @!p0 $0xFA;
	s31 =	simm.s32 @!p0 $0x11D00;
	[sflag:s16] =	ssyncadd.s32 $0xFFFFC180  }
0x36: {  	[spmem:s4] =	stream.indirect.scatter.add.f32 @!p0 [tilespmem:s31], [sflag:$0x3], $0x8, s0, s30, $0xb8;
	[tilespmem:$0x1D8D0] =	vst v63  }
0x37: {  	_ =	swait.ge @!p0 [sflag:s29], $0x7D0  }
0x38: {  	[sflag:s29] =	ssyncset.done @!p0 $0x0  }
0x39: {  	s26 =	simm.s32 $0x200;
	[sflag:s29] =	ssyncadd.s32 @!p0 $0xFFFFF830  }
0x3a: {  	[tilespmem:s21], [sflag:$0x1] =	stream.indirect.gather [hbm4b:s1+s20], $0x40, s26, s20, $0xb8;
	[tilespmem:$0x1D8D0] =	vst v63  }
0x3b: {  	_ =	swait.ge [sflag:s25], $0x3E80  }
0x3c: {  	[sflag:s25] =	ssyncset.done $0x0  }
0x3d: {  	s19 =	simm.s32 $0x5100;
	[sflag:s25] =	ssyncadd.s32 $0xFFFFC180  }
0x3e: {  	[spmem:s3] =	stream.indirect.scatter.add.f32 [tilespmem:s23], [sflag:$0x3], $0x40, s19, s20, $0xb8;
	[tilespmem:$0x1D8D0] =	vst v63  }
0x3f: {  	_ =	swait.ge [sflag:s16], $0x3E80  }
0x40: {  	s2 =	simm.s32 @!p1 $0x3;
	[sflag:s16] =	ssyncset.done $0x0  }
0x41: {  	s18 =	simm.s32 @!p1 $0xFA;
	s0 =	simm.s32 @!p1 $0x11D00;
	[sflag:s16] =	ssyncadd.s32 $0xFFFFC180  }
0x42: {  	[spmem:s4] =	stream.indirect.scatter.add.f32 @!p1 [tilespmem:s0], [sflag:$0x3], $0x8, s19, s18, $0xb8;
	[tilespmem:$0x1D8D0] =	vst v63  }
0x43: {  	_ =	swait.ge @!p1 [sflag:s2], $0x7D0  }
0x44: {  	[sflag:s2] =	ssyncset.done @!p1 $0x0  }
0x45: {  	s22 =	simm.s32 $0x300;
	s19 =	simm.s32 $0x800;
	[sflag:s2] =	ssyncadd.s32 @!p1 $0xFFFFF830  }
.LBB2_2:
0x46: {  	[tilespmem:s23], [sflag:$0x2] =	stream.indirect.gather [hbm4b:s1+s20], $0x40, s22, s20, $0xb8;
	[tilespmem:$0x1D8D0] =	vst v63  }
0x47: {  	s22 =	smov.u32 s19;
	s19 =	sadd.s32 $0x800, s19;
	_ =	swait.ge [sflag:s24], $0x3E80  }
0x48: {  	s22 =	sshra.s32 s22, $0x2;
	p2 =	sne.s32 s19, $0x13800;
	[sflag:s24] =	ssyncset.done $0x0  }
0x49: {  	s26 =	sadd.s32 $0x5000, s22;
	[sflag:s24] =	ssyncadd.s32 $0xFFFFC180  }
0x4a: {  	[spmem:s3] =	stream.indirect.scatter.add.f32 [tilespmem:s21], [sflag:$0x3], $0x40, s26, s20, $0xb8;
	[tilespmem:$0x1D8D0] =	vst v63  }
0x4b: {  	_ =	swait.ge [sflag:s16], $0x3E80  }
0x4c: {  	[sflag:s16] =	ssyncset.done $0x0  }
0x4d: {  	[sflag:s16] =	ssyncadd.s32 $0xFFFFC180  }
0x4e: {  	[spmem:s4] =	stream.indirect.scatter.add.f32 @!p0 [tilespmem:s31], [sflag:$0x3], $0x8, s26, s30, $0xb8;
	[tilespmem:$0x1D8D0] =	vst v63  }
0x4f: {  	_ =	swait.ge @!p0 [sflag:s29], $0x7D0  }
0x50: {  	[sflag:s29] =	ssyncset.done @!p0 $0x0  }
0x51: {  	s26 =	sadd.s32 $0x200, s22;
	[sflag:s29] =	ssyncadd.s32 @!p0 $0xFFFFF830  }
0x52: {  	[tilespmem:s21], [sflag:$0x1] =	stream.indirect.gather [hbm4b:s1+s20], $0x40, s26, s20, $0xb8;
	[tilespmem:$0x1D8D0] =	vst v63  }
0x53: {  	_ =	swait.ge [sflag:s25], $0x3E80  }
0x54: {  	[sflag:s25] =	ssyncset.done $0x0  }
0x55: {  	s26 =	sadd.s32 $0x5100, s22;
	[sflag:s25] =	ssyncadd.s32 $0xFFFFC180  }
0x56: {  	[spmem:s3] =	stream.indirect.scatter.add.f32 [tilespmem:s23], [sflag:$0x3], $0x40, s26, s20, $0xb8;
	[tilespmem:$0x1D8D0] =	vst v63  }
0x57: {  	_ =	swait.ge [sflag:s16], $0x3E80  }
0x58: {  	[sflag:s16] =	ssyncset.done $0x0  }
.Ltmp0:
0x59: {  	[sflag:s16] =	ssyncadd.s32 $0xFFFFC180;
	(pc) =	sbr.rel @p2 .LBB2_2-.Ltmp0, $4  }
0x5a: {  	[spmem:s4] =	stream.indirect.scatter.add.f32 @!p1 [tilespmem:s0], [sflag:$0x3], $0x8, s26, s18, $0xb8;
	[tilespmem:$0x1D8D0] =	vst v63  }
0x5b: {  	_ =	swait.ge @!p1 [sflag:s2], $0x7D0  }
0x5c: {  	[sflag:s2] =	ssyncset.done @!p1 $0x0  }
0x5d: {  	s22 =	sadd.s32 $0x300, s22;
	[sflag:s2] =	ssyncadd.s32 @!p1 $0xFFFFF830  }
0x5e: {  	[tilespmem:s23], [sflag:$0x2] =	stream.indirect.gather [hbm4b:s1+s20], $0x40, s22, s20, $0xb8;
	[tilespmem:$0x1D8D0] =	vst v63  }
0x5f: {  	_ =	swait.ge [sflag:s24], $0x3E80  }
0x60: {  	[sflag:s24] =	ssyncset.done $0x0  }
0x61: {  	s0 =	simm.s32 $0x9E00;
	[sflag:s24] =	ssyncadd.s32 $0xFFFFC180  }
0x62: {  	[spmem:s3] =	stream.indirect.scatter.add.f32 [tilespmem:s21], [sflag:$0x3], $0x40, s0, s20, $0xb8;
	[tilespmem:$0x1D8D0] =	vst v63  }
0x63: {  	_ =	swait.ge [sflag:s16], $0x3E80  }
0x64: {  	[sflag:s16] =	ssyncset.done $0x0  }
0x65: {  	s0 =	simm.s32 @p0 $0x2;
	[sflag:s16] =	ssyncadd.s32 $0xFFFFC180  }
0x66: {  	_ =	swait.ge @p0 [sflag:s0], $0x3E80  }
0x67: {  	s2 =	simm.s32 @p0 $0x9F00;
	[sflag:s0] =	ssyncset.done @p0 $0x0  }
0x68: {  	s18 =	simm.s32 @p0 $0xDE80;
	[sflag:s0] =	ssyncadd.s32 @p0 $0xFFFFC180;
	s0 =	simm.s32 @p0 $0xFA  }
0x69: {  	[spmem:s3] =	stream.indirect.scatter.add.f32 @p0 [tilespmem:s18], [sflag:$0x3], $0x40, s2, s0, $0xb8;
	[tilespmem:$0x1D8D0] =	vst v63  }
0x6a: {  	s18 =	simm.s32 @p0 $0x3  }
0x6b: {  	_ =	swait.ge @p0 [sflag:s18], $0x3E80  }
0x6c: {  	[sflag:s18] =	ssyncset.done @p0 $0x0  }
0x6d: {  	s19 =	simm.s32 @p0 $0x11D00;
	[sflag:s18] =	ssyncadd.s32 @p0 $0xFFFFC180  }
0x6e: {  	[spmem:s4] =	stream.indirect.scatter.add.f32 @p0 [tilespmem:s19], [sflag:$0x3], $0x8, s2, s0, $0xb8;
	[tilespmem:$0x1D8D0] =	vst v63  }
0x6f: {  	_ =	swait.ge @p0 [sflag:s18], $0x7D0  }
0x70: {  	[sflag:s18] =	ssyncset.done @p0 $0x0  }
0x71: {  	s0 =	simm.s32 @!p0 $0x9E00;
	[sflag:s18] =	ssyncadd.s32 @p0 $0xFFFFF830  }
0x72: {  	[spmem:s4] =	stream.indirect.scatter.add.f32 @!p0 [tilespmem:s31], [sflag:$0x3], $0x8, s0, s30, $0xb8;
	[tilespmem:$0x1D8D0] =	vst v63  }
0x73: {  	_ =	swait.ge @!p0 [sflag:s29], $0x7D0  }
0x74: {  	[sflag:s29] =	ssyncset.done @!p0 $0x0  }
0x75: {  	s0 =	simm.s32 @!p0 $0x2;
	[sflag:s29] =	ssyncadd.s32 @!p0 $0xFFFFF830  }
0x76: {  	_ =	swait.ge @!p0 [sflag:s0], $0x3E80  }
0x77: {  	[sflag:s0] =	ssyncset.done @!p0 $0x0  }
0x78: {  	s2 =	simm.s32 @!p0 $0xDE80;
	[sflag:s0] =	ssyncadd.s32 @!p0 $0xFFFFC180;
	s0 =	simm.s32 @!p0 $0x9F00  }
0x79: {  	[spmem:s3] =	stream.indirect.scatter.add.f32 @!p0 [tilespmem:s2], [sflag:$0x3], $0x40, s0, s30, $0xb8;
	[tilespmem:$0x1D8D0] =	vst v63  }
0x7a: {  	_ =	swait.ge @!p0 [sflag:s29], $0x3E80  }
0x7b: {  	[sflag:s29] =	ssyncset.done @!p0 $0x0  }
0x7c: {  	[sflag:s29] =	ssyncadd.s32 @!p0 $0xFFFFC180  }
0x7d: {  	[bflag:$0x0] =	sbarrier.arrive $0xFFFF  }
0x7e: {  	[hbm:s12], [sflag:s8] =	dma.local [spmem:s15], $0x1400  }
0x7f: {  	s28 =	sadd.s32 $0x1, s28;
	_ =	swait.ge [sflag:s16], $0x1400  }
0x80: {  	p2 =	sne.s32 s28, s14;
	[sflag:s16] =	ssyncset.done $0x0  }
.Ltmp1:
0x81: {  	[sflag:s16] =	ssyncadd.s32 $0xFFFFEC00;
	(pc) =	sbr.rel @p2 .LBB2_1-.Ltmp1, $4  }
0x82: {  	[hbm:s13], [sflag:s8] =	dma.local [spmem:s17], $0x280  }
0x83: {  	_ =	swait.ge [sflag:s16], $0x280  }
0x84: {  	[sflag:s16] =	ssyncset.done $0x0  }
0x85: {  	[sflag:s16] =	ssyncadd.s32 $0xFFFFFD80  }
0x86: {  	_ =	sfence.sel $0x180000  }
0x87: {  	[bflag:$0x0] =	sbarrier.arrive $0xFFFF  }
0x88: {  	_ =	strace $0x90000047  }
0x89: {  	s0 =	stileid.u32;
	[bflag:$0x2] =	sbarrier.arrive $0xFFFF  }
0x8a: {  	p0 =	sne.s32 s0, $0x0;
	s0 =	rddreg [dreg:$0x5]  }
0x8b: {  	s0 =	sadd.s32 @!p0 $0x100000, s0  }
0x8c: {  	[sflag:s0] =	ssyncadd.tile.s32 @!p0 $0x1;
	_ =	shalt  }
.Lfunc_end2:
_tile_overlayer_lowered:
.L_overlay_start_2:
0x8d: {  	(tag) =	ssettag $0x2  }
0x8e: {  	s0 =	rddreg [dreg:$0x0];
	s2 =	stileid.u32  }
0x8f: {  	s1 =	rddreg [dreg:$0x1];
	p0 =	sne.s32 s2, $0x0  }
0x90: {  	s3 =	rddreg [dreg:$0x2];
	[bflag:$0x3] =	sbarrier.arrive $0xFFFF;
	s2 =	simm.s32 @!p0 $0x1C03  }
0x91: {  	[timem:s3], [sflag:s2] =	dma.local @!p0 [hbm:s0], s1  }
0x92: {  	s0 =	simm.s32 @!p0 $0x3  }
0x93: {  	_ =	swait.ge @!p0 [sflag:s0], s1  }
0x94: {  	s1 =	ssub.s32 @!p0 $0x0, s1;
	[sflag:s0] =	ssyncset.done @!p0 $0x0  }
0x95: {  	[sflag:s0] =	ssyncadd.s32 @!p0 s1  }
0x96: {  	[bflag:$0x3] =	sbarrier.arrive $0xFFFF  }
0x97: {  	_ =	shalt  }

</sc_bundles>
